<compile_context>
chip_gen: v7x
topology: tpu7x:2x2x1
jax: 0.10.2.dev20260603
libtpu: 0.0.44.dev20260713+nightly
codegen_flags: <defaults>
</compile_context>

<pallas_src>
import functools

import jax
import jax.numpy as jnp
from jax import lax
from jax.experimental import pallas as pl
from jax.experimental.pallas import tpu as pltpu
from jax.experimental.pallas import tpu_sc as plsc

_N = 4096
_D = _N + 1
_EPS = 1e-6
_K = 8
_RPW = 128
_NCHUNK = _RPW // _K
_VSTAGE = 256
_PW = _N + _VSTAGE - _RPW


def _spu(x):
    return jnp.where(x >= 0, x * x - 0.5, jax.nn.sigmoid(-x) - 1.0)


def _spu_grad(x):
    s = jax.nn.sigmoid(-x)
    return jnp.where(x >= 0, 2.0 * x, -s * (1.0 - s))


def _diff_clamp(x, a, b):
    return jnp.tanh(x) * (b - a) / 2.0 + (b + a) / 2.0


def _params_body(lb_ref, ub_ref, sl_ref, su_ref, params_ref):
    lb = lb_ref[...]
    ub = ub_ref[...]
    slope_l = sl_ref[...]
    slope_u = su_ref[...]
    spu_ub = _spu(ub)
    spu_lb = _spu(lb)
    g_ub = _spu_grad(ub)
    g_lb = _spu_grad(lb)
    mask_1 = lb >= 0
    mask_2 = ub <= 0
    a = (spu_ub - spu_lb) / (ub - lb + _EPS)
    zeros = jnp.zeros_like(a)
    slope_u_use = jnp.where(
        mask_1,
        _diff_clamp(slope_u, a, a),
        jnp.where(
            mask_2,
            _diff_clamp(slope_u, g_ub, g_lb),
            _diff_clamp(slope_u, jnp.full_like(a, -0.25), jnp.maximum(zeros, a)),
        ),
    )
    slope_l_use = jnp.where(
        mask_1,
        _diff_clamp(slope_l, g_lb, g_ub),
        jnp.where(
            mask_2,
            _diff_clamp(slope_l, a, a),
            _diff_clamp(slope_l, (spu_lb + 0.5) / (lb + _EPS), g_ub),
        ),
    )
    b1 = spu_lb - slope_l_use * lb
    b2 = spu_ub - slope_l_use * ub
    l_bias = jnp.minimum(b1, b2)
    c1 = spu_lb - slope_u_use * lb
    c2 = spu_ub - slope_u_use * ub
    xv = slope_u_use / 2.0
    valid = (xv >= jnp.maximum(lb, 0.0)) & (xv <= ub)
    c3 = jnp.where(valid, -slope_u_use * slope_u_use / 4.0 - 0.5, -1e30)
    u_bias = jnp.maximum(jnp.maximum(c1, c2), c3)
    params_ref[0:1, 0:_N] = slope_l_use
    params_ref[1:2, 0:_N] = slope_u_use
    params_ref[2:3, 0:_N] = l_bias
    params_ref[3:4, 0:_N] = u_bias
    params_ref[:, _N:] = jnp.zeros((4, _PW - _N), jnp.float32)


def _compute_params(lb, ub, slope_l, slope_u):
    args = [x.reshape(1, _N) for x in (lb, ub, slope_l, slope_u)]
    return pl.pallas_call(
        _params_body,
        out_shape=jax.ShapeDtypeStruct((4, _PW), jnp.float32),
    )(*args)


def _sc_fill_body(params_hbm, zrows_hbm,
                  out_hbm, pv, buf, sem):
    c = lax.axis_index("c")
    s = lax.axis_index("s")
    w = s * 2 + c
    row0 = w * _RPW

    pltpu.sync_copy(params_hbm.at[:, pl.ds(row0, _VSTAGE)], pv)

    pltpu.sync_copy(zrows_hbm, buf)

    lane = lax.iota(jnp.int32, 16)
    rr = lane & 7
    mlow = lane < 8
    zero16i = jnp.zeros((16,), jnp.int32)
    one16i = jnp.full((16,), 1, jnp.int32)
    last16i = jnp.full((16,), _N, jnp.int32)
    zval = jnp.zeros((16,), jnp.float32)

    def chunk(i, carry):
        l0 = i * _K
        r0 = row0 + l0
        dcol = r0 + rr
        slu16 = pv[0, pl.ds(l0, 16)]
        suu16 = pv[1, pl.ds(l0, 16)]
        lb16 = pv[2, pl.ds(l0, 16)]
        ub16 = pv[3, pl.ds(l0, 16)]
        plsc.store_scatter(buf, [rr, zero16i, dcol], slu16, mask=mlow)
        plsc.store_scatter(buf, [rr, one16i, dcol], suu16, mask=mlow)
        plsc.store_scatter(buf, [rr, zero16i, last16i], lb16, mask=mlow)
        plsc.store_scatter(buf, [rr, one16i, last16i], ub16, mask=mlow)
        pltpu.async_copy(buf, out_hbm.at[pl.ds(r0, _K)], sem).wait()
        plsc.store_scatter(buf, [rr, zero16i, dcol], zval, mask=mlow)
        plsc.store_scatter(buf, [rr, one16i, dcol], zval, mask=mlow)
        plsc.store_scatter(buf, [rr, zero16i, last16i], zval, mask=mlow)
        plsc.store_scatter(buf, [rr, one16i, last16i], zval, mask=mlow)
        return carry

    lax.fori_loop(0, _NCHUNK, chunk, 0)

    @pl.when(w == 31)
    def _():
        m_idx = jnp.where(lane < 8, 0, 1).astype(jnp.int32)
        one_val = jnp.full((16,), 1.0, jnp.float32)
        plsc.store_scatter(buf, [zero16i, m_idx, last16i], one_val)
        pltpu.async_copy(buf.at[pl.ds(0, 1)],
                         out_hbm.at[pl.ds(_N, 1)], sem).wait()


def _sc_fill(params):
    zrows = jnp.zeros((_K, 2, _D), jnp.float32)
    mesh = plsc.VectorSubcoreMesh(core_axis_name="c", subcore_axis_name="s")
    fill = functools.partial(
        pl.kernel,
        mesh=mesh,
        compiler_params=pltpu.CompilerParams(needs_layout_passes=False),
        out_type=jax.ShapeDtypeStruct((_D, 2, _D), jnp.float32),
        scratch_types=[
            pltpu.VMEM((4, _VSTAGE), jnp.float32),
            pltpu.VMEM((_K, 2, _D), jnp.float32),
            pltpu.SemaphoreType.DMA,
        ],
    )(_sc_fill_body)
    return fill(params, zrows)


def kernel(lb, ub, slope_l, slope_u):
    params = _compute_params(lb, ub, slope_l, slope_u)
    out = _sc_fill(params)
    return jnp.transpose(out, (1, 0, 2))

# --- scband reference (transcript-rebuilt; emitter-appended) ---
"""Pipeline reference for scband-dpspu-65704409694825 (READ-ONLY COPY).

The authoritative reference and input builder live on the scoring server;
editing this copy changes nothing except your own understanding.
"""

import jax, jax.numpy as jnp
import numpy as np

EPS = 1e-6
N = 4096

def SPU(x):
    return jnp.where(x >= 0, x * x - 0.5, jax.nn.sigmoid(-x) - 1.0)

def SPU_grad(x):
    s = jax.nn.sigmoid(-x)
    return jnp.where(x >= 0, 2.0 * x, -s * (1.0 - s))

def diff_clamp(x, a, b):
    return jnp.tanh(x) * (b - a) / 2.0 + (b + a) / 2.0

def choose_bias(lb, ub, slope, lower=True):
    b1 = SPU(lb) - slope * lb
    b2 = SPU(ub) - slope * ub
    if lower:
        return jnp.minimum(b1, b2)
    xv = slope / 2.0
    valid = (xv >= jnp.maximum(lb, 0.0)) & (xv <= ub)
    b3 = jnp.where(valid, -slope * slope / 4.0 - 0.5, -1e30)
    return jnp.maximum(jnp.maximum(b1, b2), b3)

def setup_inputs(seed: int = 0):
    key = jax.random.key(seed)
    k1, k2, k3, k4 = jax.random.split(key, 4)
    center = jax.random.normal(k1, (N,), dtype=jnp.float32)
    width = jax.random.uniform(k2, (N,), dtype=jnp.float32, minval=0.01, maxval=1.0)
    lb = center - width
    ub = center + width
    slope_l = jax.random.normal(k3, (N,), dtype=jnp.float32) * 0.1
    slope_u = jax.random.normal(k4, (N,), dtype=jnp.float32) * 0.1
    return {"lb": lb, "ub": ub, "slope_l": slope_l, "slope_u": slope_u}

def reference(lb, ub, slope_l, slope_u):
    ubb = jax.lax.stop_gradient(ub)
    lbb = jax.lax.stop_gradient(lb)
    spu_ub = SPU(ubb)
    spu_lb = SPU(lbb)
    g_ub = SPU_grad(ubb)
    g_lb = SPU_grad(lbb)
    mask_1 = lbb >= 0
    mask_2 = ubb <= 0
    a = (spu_ub - spu_lb) / (ubb - lbb + EPS)
    slope_u_use = jnp.where(
        mask_1,
        diff_clamp(slope_u, a, a),
        jnp.where(
            mask_2,
            diff_clamp(slope_u, g_ub, g_lb),
            diff_clamp(slope_u, jnp.full_like(a, -0.25), jnp.maximum(jnp.zeros_like(a), a)),
        ),
    )
    slope_l_use = jnp.where(
        mask_1,
        diff_clamp(slope_l, g_lb, g_ub),
        jnp.where(
            mask_2,
            diff_clamp(slope_l, a, a),
            diff_clamp(slope_l, (spu_lb + 0.5) / (lbb + EPS), g_ub),
        ),
    )
    l_bias = choose_bias(lb, ub, slope_l_use, True)
    u_bias = choose_bias(lb, ub, slope_u_use, False)
    n = lb.shape[0]
    last_row = jnp.concatenate([jnp.zeros((n,), dtype=lb.dtype), jnp.ones((1,), dtype=lb.dtype)])[None, :]
    mat_lb = jnp.concatenate([jnp.concatenate([jnp.diag(slope_l_use), l_bias[:, None]], axis=1), last_row], axis=0)
    mat_ub = jnp.concatenate([jnp.concatenate([jnp.diag(slope_u_use), u_bias[:, None]], axis=1), last_row], axis=0)
    return jnp.stack([mat_lb, mat_ub])

if __name__ == "__main__":
    import jax
    _d = setup_inputs()
    print(jax.jit(kernel)(*tuple(_d.values())))

</pallas_src>

<mosaic_0001>
#map = affine_map<(d0, d1) -> (0, 0)>
#map1 = affine_map<(d0, d1) -> (0, 0, 0)>
module attributes {stable_mosaic.version = 14 : i64} {
  func.func @_sc_fill_body(%arg0: i32, %arg1: i32, %arg2: memref<4x4224xf32, #tpu.memory_space<hbm>>, %arg3: memref<8x2x4097xf32, #tpu.memory_space<hbm>>, %arg4: memref<4097x2x4097xf32, #tpu.memory_space<hbm>>, %arg5: memref<4x256xf32, #tpu.memory_space<vmem>>, %arg6: memref<8x2x4097xf32, #tpu.memory_space<vmem>>, %arg7: memref<!tpu.dma_semaphore, #tpu.memory_space<semaphore_mem>>) attributes {dimension_semantics = [#tpu.dimension_semantics<core_parallel>, #tpu.dimension_semantics<subcore_parallel>], iteration_bounds = array<i64: 2, 16>, scalar_prefetch = 0 : i64, scratch_operands = 3 : i64, tpu.core_type = #tpu.core_type<sc_vector_subcore>, window_params = [{transform_indices = #map}, {transform_indices = #map1}, {transform_indices = #map1}]} {
    %mul3A = arith.constant 2 : i32
    %mul3A_0 = arith.muli %arg1, %mul3A : i32
    %add3A = arith.addi %mul3A_0, %arg0 : i32
    %mul3A_1 = arith.constant 128 : i32
    %mul3A_2 = arith.muli %add3A, %mul3A_1 : i32
    "tpu.region"() ({
      %run_scoped3A = tpu.sem_alloc : memref<!tpu.dma_semaphore, #tpu.memory_space<semaphore_mem>>
      %dma_start3A = arith.constant 0 : i32
      %dma_start3A_21 = tpu.memref_slice %arg2[%dma_start3A, %mul3A_2] : memref<4x4224xf32, #tpu.memory_space<hbm>> -> memref<4x256xf32, #tpu.memory_space<hbm>>
      %dma_start3A_22 = arith.constant 0 : i32
      %dma_start3A_23 = tpu.memref_slice %arg2[%dma_start3A_22, %mul3A_2] : memref<4x4224xf32, #tpu.memory_space<hbm>> -> memref<4x256xf32, #tpu.memory_space<hbm>>
      tpu.enqueue_dma source(%dma_start3A_23 : memref<4x256xf32, #tpu.memory_space<hbm>>) target(%arg5 : memref<4x256xf32, #tpu.memory_space<vmem>>) target_semaphore(%run_scoped3A : memref<!tpu.dma_semaphore, #tpu.memory_space<semaphore_mem>>)
      %dma_wait3A = arith.constant 0 : i32
      %dma_wait3A_24 = tpu.memref_slice %arg2[%dma_wait3A, %mul3A_2] : memref<4x4224xf32, #tpu.memory_space<hbm>> -> memref<4x256xf32, #tpu.memory_space<hbm>>
      %dma_wait3A_25 = arith.constant 0 : i32
      %dma_wait3A_26 = tpu.memref_slice %arg2[%dma_wait3A_25, %mul3A_2] : memref<4x4224xf32, #tpu.memory_space<hbm>> -> memref<4x256xf32, #tpu.memory_space<hbm>>
      tpu.wait_dma2 semaphore(%run_scoped3A : memref<!tpu.dma_semaphore, #tpu.memory_space<semaphore_mem>>) src(%dma_wait3A_26 : memref<4x256xf32, #tpu.memory_space<hbm>>) dst(%arg5 : memref<4x256xf32, #tpu.memory_space<vmem>>)
      tpu.yield
    }) : () -> ()
    "tpu.region"() ({
      %run_scoped3A = tpu.sem_alloc : memref<!tpu.dma_semaphore, #tpu.memory_space<semaphore_mem>>
      tpu.enqueue_dma source(%arg3 : memref<8x2x4097xf32, #tpu.memory_space<hbm>>) target(%arg6 : memref<8x2x4097xf32, #tpu.memory_space<vmem>>) target_semaphore(%run_scoped3A : memref<!tpu.dma_semaphore, #tpu.memory_space<semaphore_mem>>)
      tpu.wait_dma2 semaphore(%run_scoped3A : memref<!tpu.dma_semaphore, #tpu.memory_space<semaphore_mem>>) src(%arg3 : memref<8x2x4097xf32, #tpu.memory_space<hbm>>) dst(%arg6 : memref<8x2x4097xf32, #tpu.memory_space<vmem>>)
      tpu.yield
    }) : () -> ()
    %iota3A = tpu.iota {dimensions = array<i32: 0>} : vector<16xi32>
    %and3A = arith.constant 7 : i32
    %and3A_3 = vector.broadcast %and3A : i32 to vector<16xi32>
    %and3A_4 = arith.andi %iota3A, %and3A_3 : vector<16xi32>
    %lt3A = arith.constant 8 : i32
    %lt3A_5 = vector.broadcast %lt3A : i32 to vector<16xi32>
    %lt3A_6 = arith.cmpi slt, %iota3A, %lt3A_5 : vector<16xi32>
    %broadcast_in_dim3A = arith.constant 0 : i32
    %broadcast_in_dim3A_7 = vector.broadcast %broadcast_in_dim3A : i32 to vector<16xi32>
    %broadcast_in_dim3A_8 = arith.constant 1 : i32
    %broadcast_in_dim3A_9 = vector.broadcast %broadcast_in_dim3A_8 : i32 to vector<16xi32>
    %broadcast_in_dim3A_10 = arith.constant 4096 : i32
    %broadcast_in_dim3A_11 = vector.broadcast %broadcast_in_dim3A_10 : i32 to vector<16xi32>
    %broadcast_in_dim3A_12 = arith.constant 0.000000e+00 : f32
    %broadcast_in_dim3A_13 = vector.broadcast %broadcast_in_dim3A_12 : f32 to vector<16xf32>
    %scan3A = arith.constant 0 : i32
    %scan3A_14 = arith.constant 0 : i32
    %scan3A_15 = arith.constant 16 : i32
    %scan3A_16 = arith.addi %scan3A_14, %scan3A_15 : i32
    %scan3A_17 = arith.constant 1 : i32
    scf.for %scan3A_21 = %scan3A_14 to %scan3A_16 step %scan3A_17  : i32 {
      %mul3A_22 = arith.constant 8 : i32
      %mul3A_23 = arith.muli %scan3A_21, %mul3A_22 : i32
      %add3A_24 = arith.addi %mul3A_2, %mul3A_23 : i32
      %add3A_25 = vector.broadcast %add3A_24 : i32 to vector<16xi32>
      %add3A_26 = arith.addi %add3A_25, %and3A_4 : vector<16xi32>
      %get3A = arith.constant 0 : i32
      %get3A_27 = arith.index_cast %get3A : i32 to index
      %get3A_28 = arith.index_cast %mul3A_23 : i32 to index
      %get3A_29 = tpu.vector_load %arg5[%get3A_27, %get3A_28] {strides = array<i32>} : memref<4x256xf32, #tpu.memory_space<vmem>>, vector<16xf32>,
      %get3A_30 = arith.constant 1 : i32
      %get3A_31 = arith.index_cast %get3A_30 : i32 to index
      %get3A_32 = arith.index_cast %mul3A_23 : i32 to index
      %get3A_33 = tpu.vector_load %arg5[%get3A_31, %get3A_32] {strides = array<i32>} : memref<4x256xf32, #tpu.memory_space<vmem>>, vector<16xf32>,
      %get3A_34 = arith.constant 2 : i32
      %get3A_35 = arith.index_cast %get3A_34 : i32 to index
      %get3A_36 = arith.index_cast %mul3A_23 : i32 to index
      %get3A_37 = tpu.vector_load %arg5[%get3A_35, %get3A_36] {strides = array<i32>} : memref<4x256xf32, #tpu.memory_space<vmem>>, vector<16xf32>,
      %get3A_38 = arith.constant 3 : i32
      %get3A_39 = arith.index_cast %get3A_38 : i32 to index
      %get3A_40 = arith.index_cast %mul3A_23 : i32 to index
      %get3A_41 = tpu.vector_load %arg5[%get3A_39, %get3A_40] {strides = array<i32>} : memref<4x256xf32, #tpu.memory_space<vmem>>, vector<16xf32>,
      tpu.vector_store_idx %arg6[%and3A_4, %broadcast_in_dim3A_7, %add3A_26], %get3A_29 masked %lt3A_6 : memref<8x2x4097xf32, #tpu.memory_space<vmem>>[vector<16xi32>, vector<16xi32>, vector<16xi32>], vector<16xf32>, vector<16xi1>
      tpu.vector_store_idx %arg6[%and3A_4, %broadcast_in_dim3A_9, %add3A_26], %get3A_33 masked %lt3A_6 : memref<8x2x4097xf32, #tpu.memory_space<vmem>>[vector<16xi32>, vector<16xi32>, vector<16xi32>], vector<16xf32>, vector<16xi1>
      tpu.vector_store_idx %arg6[%and3A_4, %broadcast_in_dim3A_7, %broadcast_in_dim3A_11], %get3A_37 masked %lt3A_6 : memref<8x2x4097xf32, #tpu.memory_space<vmem>>[vector<16xi32>, vector<16xi32>, vector<16xi32>], vector<16xf32>, vector<16xi1>
      tpu.vector_store_idx %arg6[%and3A_4, %broadcast_in_dim3A_9, %broadcast_in_dim3A_11], %get3A_41 masked %lt3A_6 : memref<8x2x4097xf32, #tpu.memory_space<vmem>>[vector<16xi32>, vector<16xi32>, vector<16xi32>], vector<16xf32>, vector<16xi1>
      %dma_start3A = arith.constant 0 : i32
      %dma_start3A_42 = arith.constant 0 : i32
      %dma_start3A_43 = tpu.memref_slice %arg4[%add3A_24, %dma_start3A, %dma_start3A_42] : memref<4097x2x4097xf32, #tpu.memory_space<hbm>> -> memref<8x2x4097xf32, #tpu.memory_space<hbm>>
      %dma_start3A_44 = arith.constant 0 : i32
      %dma_start3A_45 = arith.constant 0 : i32
      %dma_start3A_46 = tpu.memref_slice %arg4[%add3A_24, %dma_start3A_44, %dma_start3A_45] : memref<4097x2x4097xf32, #tpu.memory_space<hbm>> -> memref<8x2x4097xf32, #tpu.memory_space<hbm>>
      tpu.enqueue_dma source(%arg6 : memref<8x2x4097xf32, #tpu.memory_space<vmem>>) target(%dma_start3A_46 : memref<8x2x4097xf32, #tpu.memory_space<hbm>>) target_semaphore(%arg7 : memref<!tpu.dma_semaphore, #tpu.memory_space<semaphore_mem>>)
      %dma_wait3A = arith.constant 0 : i32
      %dma_wait3A_47 = arith.constant 0 : i32
      %dma_wait3A_48 = tpu.memref_slice %arg4[%add3A_24, %dma_wait3A, %dma_wait3A_47] : memref<4097x2x4097xf32, #tpu.memory_space<hbm>> -> memref<8x2x4097xf32, #tpu.memory_space<hbm>>
      %dma_wait3A_49 = arith.constant 0 : i32
      %dma_wait3A_50 = arith.constant 0 : i32
      %dma_wait3A_51 = tpu.memref_slice %arg4[%add3A_24, %dma_wait3A_49, %dma_wait3A_50] : memref<4097x2x4097xf32, #tpu.memory_space<hbm>> -> memref<8x2x4097xf32, #tpu.memory_space<hbm>>
      tpu.wait_dma2 semaphore(%arg7 : memref<!tpu.dma_semaphore, #tpu.memory_space<semaphore_mem>>) src(%arg6 : memref<8x2x4097xf32, #tpu.memory_space<vmem>>) dst(%dma_wait3A_51 : memref<8x2x4097xf32, #tpu.memory_space<hbm>>)
      tpu.vector_store_idx %arg6[%and3A_4, %broadcast_in_dim3A_7, %add3A_26], %broadcast_in_dim3A_13 masked %lt3A_6 : memref<8x2x4097xf32, #tpu.memory_space<vmem>>[vector<16xi32>, vector<16xi32>, vector<16xi32>], vector<16xf32>, vector<16xi1>
      tpu.vector_store_idx %arg6[%and3A_4, %broadcast_in_dim3A_9, %add3A_26], %broadcast_in_dim3A_13 masked %lt3A_6 : memref<8x2x4097xf32, #tpu.memory_space<vmem>>[vector<16xi32>, vector<16xi32>, vector<16xi32>], vector<16xf32>, vector<16xi1>
      tpu.vector_store_idx %arg6[%and3A_4, %broadcast_in_dim3A_7, %broadcast_in_dim3A_11], %broadcast_in_dim3A_13 masked %lt3A_6 : memref<8x2x4097xf32, #tpu.memory_space<vmem>>[vector<16xi32>, vector<16xi32>, vector<16xi32>], vector<16xf32>, vector<16xi1>
      tpu.vector_store_idx %arg6[%and3A_4, %broadcast_in_dim3A_9, %broadcast_in_dim3A_11], %broadcast_in_dim3A_13 masked %lt3A_6 : memref<8x2x4097xf32, #tpu.memory_space<vmem>>[vector<16xi32>, vector<16xi32>, vector<16xi32>], vector<16xf32>, vector<16xi1>
    }
    %scan3A_18 = arith.constant 16 : i32
    %eq3A = arith.constant 31 : i32
    %eq3A_19 = arith.cmpi eq, %add3A, %eq3A : i32
    %convert_element_type3A = arith.extui %eq3A_19 : i1 to i32
    %cond3A = arith.constant 0 : i32
    %cond3A_20 = arith.cmpi ne, %convert_element_type3A, %cond3A : i32
    scf.if %cond3A_20 {
      %lt3A_21 = arith.constant 8 : i32
      %lt3A_22 = vector.broadcast %lt3A_21 : i32 to vector<16xi32>
      %lt3A_23 = arith.cmpi slt, %iota3A, %lt3A_22 : vector<16xi32>
      %jit3A = arith.constant 0 : i32
      %jit3A_24 = arith.constant 1 : i32
      %broadcast_in_dim3A_25 = vector.broadcast %jit3A : i32 to vector<16xi32>
      %broadcast_in_dim3A_26 = vector.broadcast %jit3A_24 : i32 to vector<16xi32>
      %select_n3A = arith.select %lt3A_23, %broadcast_in_dim3A_25, %broadcast_in_dim3A_26 : vector<16xi1>, vector<16xi32>
      %broadcast_in_dim3A_27 = arith.constant 1.000000e+00 : f32
      %broadcast_in_dim3A_28 = vector.broadcast %broadcast_in_dim3A_27 : f32 to vector<16xf32>
      tpu.vector_store_idx %arg6[%broadcast_in_dim3A_7, %select_n3A, %broadcast_in_dim3A_11], %broadcast_in_dim3A_28 : memref<8x2x4097xf32, #tpu.memory_space<vmem>>[vector<16xi32>, vector<16xi32>, vector<16xi32>], vector<16xf32>,
      %dma_start3A = arith.constant 0 : i32
      %dma_start3A_29 = arith.constant 0 : i32
      %dma_start3A_30 = arith.constant 0 : i32
      %dma_start3A_31 = tpu.memref_slice %arg6[%dma_start3A, %dma_start3A_29, %dma_start3A_30] : memref<8x2x4097xf32, #tpu.memory_space<vmem>> -> memref<1x2x4097xf32, #tpu.memory_space<vmem>>
      %dma_start3A_32 = arith.constant 4096 : i32
      %dma_start3A_33 = arith.constant 0 : i32
      %dma_start3A_34 = arith.constant 0 : i32
      %dma_start3A_35 = tpu.memref_slice %arg4[%dma_start3A_32, %dma_start3A_33, %dma_start3A_34] : memref<4097x2x4097xf32, #tpu.memory_space<hbm>> -> memref<1x2x4097xf32, #tpu.memory_space<hbm>>
      %dma_start3A_36 = arith.constant 4096 : i32
      %dma_start3A_37 = arith.constant 0 : i32
      %dma_start3A_38 = arith.constant 0 : i32
      %dma_start3A_39 = tpu.memref_slice %arg4[%dma_start3A_36, %dma_start3A_37, %dma_start3A_38] : memref<4097x2x4097xf32, #tpu.memory_space<hbm>> -> memref<1x2x4097xf32, #tpu.memory_space<hbm>>
      %dma_start3A_40 = arith.constant 0 : i32
      %dma_start3A_41 = arith.constant 0 : i32
      %dma_start3A_42 = arith.constant 0 : i32
      %dma_start3A_43 = tpu.memref_slice %arg6[%dma_start3A_40, %dma_start3A_41, %dma_start3A_42] : memref<8x2x4097xf32, #tpu.memory_space<vmem>> -> memref<1x2x4097xf32, #tpu.memory_space<vmem>>
      tpu.enqueue_dma source(%dma_start3A_43 : memref<1x2x4097xf32, #tpu.memory_space<vmem>>) target(%dma_start3A_39 : memref<1x2x4097xf32, #tpu.memory_space<hbm>>) target_semaphore(%arg7 : memref<!tpu.dma_semaphore, #tpu.memory_space<semaphore_mem>>)
      %dma_wait3A = arith.constant 0 : i32
      %dma_wait3A_44 = arith.constant 0 : i32
      %dma_wait3A_45 = arith.constant 0 : i32
      %dma_wait3A_46 = tpu.memref_slice %arg6[%dma_wait3A, %dma_wait3A_44, %dma_wait3A_45] : memref<8x2x4097xf32, #tpu.memory_space<vmem>> -> memref<1x2x4097xf32, #tpu.memory_space<vmem>>
      %dma_wait3A_47 = arith.constant 4096 : i32
      %dma_wait3A_48 = arith.constant 0 : i32
      %dma_wait3A_49 = arith.constant 0 : i32
      %dma_wait3A_50 = tpu.memref_slice %arg4[%dma_wait3A_47, %dma_wait3A_48, %dma_wait3A_49] : memref<4097x2x4097xf32, #tpu.memory_space<hbm>> -> memref<1x2x4097xf32, #tpu.memory_space<hbm>>
      %dma_wait3A_51 = arith.constant 4096 : i32
      %dma_wait3A_52 = arith.constant 0 : i32
      %dma_wait3A_53 = arith.constant 0 : i32
      %dma_wait3A_54 = tpu.memref_slice %arg4[%dma_wait3A_51, %dma_wait3A_52, %dma_wait3A_53] : memref<4097x2x4097xf32, #tpu.memory_space<hbm>> -> memref<1x2x4097xf32, #tpu.memory_space<hbm>>
      %dma_wait3A_55 = arith.constant 0 : i32
      %dma_wait3A_56 = arith.constant 0 : i32
      %dma_wait3A_57 = arith.constant 0 : i32
      %dma_wait3A_58 = tpu.memref_slice %arg6[%dma_wait3A_55, %dma_wait3A_56, %dma_wait3A_57] : memref<8x2x4097xf32, #tpu.memory_space<vmem>> -> memref<1x2x4097xf32, #tpu.memory_space<vmem>>
      tpu.wait_dma2 semaphore(%arg7 : memref<!tpu.dma_semaphore, #tpu.memory_space<semaphore_mem>>) src(%dma_wait3A_58 : memref<1x2x4097xf32, #tpu.memory_space<vmem>>) dst(%dma_wait3A_54 : memref<1x2x4097xf32, #tpu.memory_space<hbm>>)
    } else {
    }
    return
  }
}

module attributes {stable_mosaic.version = 14 : i64} {
  func.func @_params_body(%arg0: memref<1x4096xf32, #tpu.memory_space<vmem>>, %arg1: memref<1x4096xf32, #tpu.memory_space<vmem>>, %arg2: memref<1x4096xf32, #tpu.memory_space<vmem>>, %arg3: memref<1x4096xf32, #tpu.memory_space<vmem>>, %arg4: memref<4x4224xf32, #tpu.memory_space<vmem>>) attributes {dimension_semantics = [], scalar_prefetch = 0 : i64, scratch_operands = 0 : i64, tpu.core_type = #tpu.core_type<tc>} {
    %get3A = arith.constant 0 : index
    %get3A_0 = arith.constant 0 : index
    %get3A_1 = vector.load %arg0[%get3A, %get3A_0] : memref<1x4096xf32, #tpu.memory_space<vmem>>, vector<1x4096xf32>
    %get3A_2 = arith.constant 0 : index
    %get3A_3 = arith.constant 0 : index
    %get3A_4 = vector.load %arg1[%get3A_2, %get3A_3] : memref<1x4096xf32, #tpu.memory_space<vmem>>, vector<1x4096xf32>
    %get3A_5 = arith.constant 0 : index
    %get3A_6 = arith.constant 0 : index
    %get3A_7 = vector.load %arg2[%get3A_5, %get3A_6] : memref<1x4096xf32, #tpu.memory_space<vmem>>, vector<1x4096xf32>
    %get3A_8 = arith.constant 0 : index
    %get3A_9 = arith.constant 0 : index
    %get3A_10 = vector.load %arg3[%get3A_8, %get3A_9] : memref<1x4096xf32, #tpu.memory_space<vmem>>, vector<1x4096xf32>
    %ge3A = arith.constant 0.000000e+00 : f32
    %ge3A_11 = vector.broadcast %ge3A : f32 to vector<1x4096xf32>
    %ge3A_12 = arith.cmpf oge, %get3A_4, %ge3A_11 : vector<1x4096xf32>
    %mul3A = arith.mulf %get3A_4, %get3A_4 : vector<1x4096xf32>
    %sub3A = arith.constant 5.000000e-01 : f32
    %sub3A_13 = vector.broadcast %sub3A : f32 to vector<1x4096xf32>
    %sub3A_14 = arith.subf %mul3A, %sub3A_13 : vector<1x4096xf32>
    %neg3A = arith.constant 0.000000e+00 : f32
    %neg3A_15 = vector.broadcast %neg3A : f32 to vector<1x4096xf32>
    %neg3A_16 = arith.subf %neg3A_15, %get3A_4 : vector<1x4096xf32>
    %logistic3A = arith.negf %neg3A_16 : vector<1x4096xf32>
    %logistic3A_17 = math.exp %logistic3A : vector<1x4096xf32>
    %logistic3A_18 = arith.constant 1.000000e+00 : f32
    %logistic3A_19 = vector.broadcast %logistic3A_18 : f32 to vector<1x4096xf32>
    %logistic3A_20 = arith.addf %logistic3A_19, %logistic3A_17 : vector<1x4096xf32>
    %logistic3A_21 = arith.divf %logistic3A_19, %logistic3A_20 : vector<1x4096xf32>
    %sub3A_22 = arith.constant 1.000000e+00 : f32
    %sub3A_23 = vector.broadcast %sub3A_22 : f32 to vector<1x4096xf32>
    %sub3A_24 = arith.subf %logistic3A_21, %sub3A_23 : vector<1x4096xf32>
    %select_n3A = arith.select %ge3A_12, %sub3A_14, %sub3A_24 : vector<1x4096xi1>, vector<1x4096xf32>
    %ge3A_25 = arith.constant 0.000000e+00 : f32
    %ge3A_26 = vector.broadcast %ge3A_25 : f32 to vector<1x4096xf32>
    %ge3A_27 = arith.cmpf oge, %get3A_1, %ge3A_26 : vector<1x4096xf32>
    %mul3A_28 = arith.mulf %get3A_1, %get3A_1 : vector<1x4096xf32>
    %sub3A_29 = arith.constant 5.000000e-01 : f32
    %sub3A_30 = vector.broadcast %sub3A_29 : f32 to vector<1x4096xf32>
    %sub3A_31 = arith.subf %mul3A_28, %sub3A_30 : vector<1x4096xf32>
    %neg3A_32 = arith.constant 0.000000e+00 : f32
    %neg3A_33 = vector.broadcast %neg3A_32 : f32 to vector<1x4096xf32>
    %neg3A_34 = arith.subf %neg3A_33, %get3A_1 : vector<1x4096xf32>
    %logistic3A_35 = arith.negf %neg3A_34 : vector<1x4096xf32>
    %logistic3A_36 = math.exp %logistic3A_35 : vector<1x4096xf32>
    %logistic3A_37 = arith.constant 1.000000e+00 : f32
    %logistic3A_38 = vector.broadcast %logistic3A_37 : f32 to vector<1x4096xf32>
    %logistic3A_39 = arith.addf %logistic3A_38, %logistic3A_36 : vector<1x4096xf32>
    %logistic3A_40 = arith.divf %logistic3A_38, %logistic3A_39 : vector<1x4096xf32>
    %sub3A_41 = arith.constant 1.000000e+00 : f32
    %sub3A_42 = vector.broadcast %sub3A_41 : f32 to vector<1x4096xf32>
    %sub3A_43 = arith.subf %logistic3A_40, %sub3A_42 : vector<1x4096xf32>
    %select_n3A_44 = arith.select %ge3A_27, %sub3A_31, %sub3A_43 : vector<1x4096xi1>, vector<1x4096xf32>
    %neg3A_45 = arith.constant 0.000000e+00 : f32
    %neg3A_46 = vector.broadcast %neg3A_45 : f32 to vector<1x4096xf32>
    %neg3A_47 = arith.subf %neg3A_46, %get3A_4 : vector<1x4096xf32>
    %logistic3A_48 = arith.negf %neg3A_47 : vector<1x4096xf32>
    %logistic3A_49 = math.exp %logistic3A_48 : vector<1x4096xf32>
    %logistic3A_50 = arith.constant 1.000000e+00 : f32
    %logistic3A_51 = vector.broadcast %logistic3A_50 : f32 to vector<1x4096xf32>
    %logistic3A_52 = arith.addf %logistic3A_51, %logistic3A_49 : vector<1x4096xf32>
    %logistic3A_53 = arith.divf %logistic3A_51, %logistic3A_52 : vector<1x4096xf32>
    %ge3A_54 = arith.constant 0.000000e+00 : f32
    %ge3A_55 = vector.broadcast %ge3A_54 : f32 to vector<1x4096xf32>
    %ge3A_56 = arith.cmpf oge, %get3A_4, %ge3A_55 : vector<1x4096xf32>
    %mul3A_57 = arith.constant 2.000000e+00 : f32
    %mul3A_58 = vector.broadcast %mul3A_57 : f32 to vector<1x4096xf32>
    %mul3A_59 = arith.mulf %mul3A_58, %get3A_4 : vector<1x4096xf32>
    %neg3A_60 = arith.constant 0.000000e+00 : f32
    %neg3A_61 = vector.broadcast %neg3A_60 : f32 to vector<1x4096xf32>
    %neg3A_62 = arith.subf %neg3A_61, %logistic3A_53 : vector<1x4096xf32>
    %sub3A_63 = arith.constant 1.000000e+00 : f32
    %sub3A_64 = vector.broadcast %sub3A_63 : f32 to vector<1x4096xf32>
    %sub3A_65 = arith.subf %sub3A_64, %logistic3A_53 : vector<1x4096xf32>
    %mul3A_66 = arith.mulf %neg3A_62, %sub3A_65 : vector<1x4096xf32>
    %select_n3A_67 = arith.select %ge3A_56, %mul3A_59, %mul3A_66 : vector<1x4096xi1>, vector<1x4096xf32>
    %neg3A_68 = arith.constant 0.000000e+00 : f32
    %neg3A_69 = vector.broadcast %neg3A_68 : f32 to vector<1x4096xf32>
    %neg3A_70 = arith.subf %neg3A_69, %get3A_1 : vector<1x4096xf32>
    %logistic3A_71 = arith.negf %neg3A_70 : vector<1x4096xf32>
    %logistic3A_72 = math.exp %logistic3A_71 : vector<1x4096xf32>
    %logistic3A_73 = arith.constant 1.000000e+00 : f32
    %logistic3A_74 = vector.broadcast %logistic3A_73 : f32 to vector<1x4096xf32>
    %logistic3A_75 = arith.addf %logistic3A_74, %logistic3A_72 : vector<1x4096xf32>
    %logistic3A_76 = arith.divf %logistic3A_74, %logistic3A_75 : vector<1x4096xf32>
    %ge3A_77 = arith.constant 0.000000e+00 : f32
    %ge3A_78 = vector.broadcast %ge3A_77 : f32 to vector<1x4096xf32>
    %ge3A_79 = arith.cmpf oge, %get3A_1, %ge3A_78 : vector<1x4096xf32>
    %mul3A_80 = arith.constant 2.000000e+00 : f32
    %mul3A_81 = vector.broadcast %mul3A_80 : f32 to vector<1x4096xf32>
    %mul3A_82 = arith.mulf %mul3A_81, %get3A_1 : vector<1x4096xf32>
    %neg3A_83 = arith.constant 0.000000e+00 : f32
    %neg3A_84 = vector.broadcast %neg3A_83 : f32 to vector<1x4096xf32>
    %neg3A_85 = arith.subf %neg3A_84, %logistic3A_76 : vector<1x4096xf32>
    %sub3A_86 = arith.constant 1.000000e+00 : f32
    %sub3A_87 = vector.broadcast %sub3A_86 : f32 to vector<1x4096xf32>
    %sub3A_88 = arith.subf %sub3A_87, %logistic3A_76 : vector<1x4096xf32>
    %mul3A_89 = arith.mulf %neg3A_85, %sub3A_88 : vector<1x4096xf32>
    %select_n3A_90 = arith.select %ge3A_79, %mul3A_82, %mul3A_89 : vector<1x4096xi1>, vector<1x4096xf32>
    %ge3A_91 = arith.constant 0.000000e+00 : f32
    %ge3A_92 = vector.broadcast %ge3A_91 : f32 to vector<1x4096xf32>
    %ge3A_93 = arith.cmpf oge, %get3A_1, %ge3A_92 : vector<1x4096xf32>
    %le3A = arith.constant 0.000000e+00 : f32
    %le3A_94 = vector.broadcast %le3A : f32 to vector<1x4096xf32>
    %le3A_95 = arith.cmpf ole, %get3A_4, %le3A_94 : vector<1x4096xf32>
    %sub3A_96 = arith.subf %select_n3A, %select_n3A_44 : vector<1x4096xf32>
    %sub3A_97 = arith.subf %get3A_4, %get3A_1 : vector<1x4096xf32>
    %add3A = arith.constant 9.99999997E-7 : f32
    %add3A_98 = vector.broadcast %add3A : f32 to vector<1x4096xf32>
    %add3A_99 = arith.addf %sub3A_97, %add3A_98 : vector<1x4096xf32>
    %div3A = arith.divf %sub3A_96, %add3A_99 : vector<1x4096xf32>
    %broadcast_in_dim3A = arith.constant 0.000000e+00 : f32
    %broadcast_in_dim3A_100 = vector.broadcast %broadcast_in_dim3A : f32 to vector<1x4096xf32>
    %tanh3A = math.tanh %get3A_10 : vector<1x4096xf32>
    %sub3A_101 = arith.subf %div3A, %div3A : vector<1x4096xf32>
    %mul3A_102 = arith.mulf %tanh3A, %sub3A_101 : vector<1x4096xf32>
    %div3A_103 = arith.constant 2.000000e+00 : f32
    %div3A_104 = vector.broadcast %div3A_103 : f32 to vector<1x4096xf32>
    %div3A_105 = arith.divf %mul3A_102, %div3A_104 : vector<1x4096xf32>
    %add3A_106 = arith.addf %div3A, %div3A : vector<1x4096xf32>
    %div3A_107 = arith.constant 2.000000e+00 : f32
    %div3A_108 = vector.broadcast %div3A_107 : f32 to vector<1x4096xf32>
    %div3A_109 = arith.divf %add3A_106, %div3A_108 : vector<1x4096xf32>
    %add3A_110 = arith.addf %div3A_105, %div3A_109 : vector<1x4096xf32>
    %tanh3A_111 = math.tanh %get3A_10 : vector<1x4096xf32>
    %sub3A_112 = arith.subf %select_n3A_90, %select_n3A_67 : vector<1x4096xf32>
    %mul3A_113 = arith.mulf %tanh3A_111, %sub3A_112 : vector<1x4096xf32>
    %div3A_114 = arith.constant 2.000000e+00 : f32
    %div3A_115 = vector.broadcast %div3A_114 : f32 to vector<1x4096xf32>
    %div3A_116 = arith.divf %mul3A_113, %div3A_115 : vector<1x4096xf32>
    %add3A_117 = arith.addf %select_n3A_90, %select_n3A_67 : vector<1x4096xf32>
    %div3A_118 = arith.constant 2.000000e+00 : f32
    %div3A_119 = vector.broadcast %div3A_118 : f32 to vector<1x4096xf32>
    %div3A_120 = arith.divf %add3A_117, %div3A_119 : vector<1x4096xf32>
    %add3A_121 = arith.addf %div3A_116, %div3A_120 : vector<1x4096xf32>
    %broadcast_in_dim3A_122 = arith.constant -2.500000e-01 : f32
    %broadcast_in_dim3A_123 = vector.broadcast %broadcast_in_dim3A_122 : f32 to vector<1x4096xf32>
    %max3A = arith.maximumf %broadcast_in_dim3A_100, %div3A : vector<1x4096xf32>
    %tanh3A_124 = math.tanh %get3A_10 : vector<1x4096xf32>
    %sub3A_125 = arith.subf %max3A, %broadcast_in_dim3A_123 : vector<1x4096xf32>
    %mul3A_126 = arith.mulf %tanh3A_124, %sub3A_125 : vector<1x4096xf32>
    %div3A_127 = arith.constant 2.000000e+00 : f32
    %div3A_128 = vector.broadcast %div3A_127 : f32 to vector<1x4096xf32>
    %div3A_129 = arith.divf %mul3A_126, %div3A_128 : vector<1x4096xf32>
    %add3A_130 = arith.addf %max3A, %broadcast_in_dim3A_123 : vector<1x4096xf32>
    %div3A_131 = arith.constant 2.000000e+00 : f32
    %div3A_132 = vector.broadcast %div3A_131 : f32 to vector<1x4096xf32>
    %div3A_133 = arith.divf %add3A_130, %div3A_132 : vector<1x4096xf32>
    %add3A_134 = arith.addf %div3A_129, %div3A_133 : vector<1x4096xf32>
    %select_n3A_135 = arith.select %le3A_95, %add3A_121, %add3A_134 : vector<1x4096xi1>, vector<1x4096xf32>
    %select_n3A_136 = arith.select %ge3A_93, %add3A_110, %select_n3A_135 : vector<1x4096xi1>, vector<1x4096xf32>
    %tanh3A_137 = math.tanh %get3A_7 : vector<1x4096xf32>
    %sub3A_138 = arith.subf %select_n3A_67, %select_n3A_90 : vector<1x4096xf32>
    %mul3A_139 = arith.mulf %tanh3A_137, %sub3A_138 : vector<1x4096xf32>
    %div3A_140 = arith.constant 2.000000e+00 : f32
    %div3A_141 = vector.broadcast %div3A_140 : f32 to vector<1x4096xf32>
    %div3A_142 = arith.divf %mul3A_139, %div3A_141 : vector<1x4096xf32>
    %add3A_143 = arith.addf %select_n3A_67, %select_n3A_90 : vector<1x4096xf32>
    %div3A_144 = arith.constant 2.000000e+00 : f32
    %div3A_145 = vector.broadcast %div3A_144 : f32 to vector<1x4096xf32>
    %div3A_146 = arith.divf %add3A_143, %div3A_145 : vector<1x4096xf32>
    %add3A_147 = arith.addf %div3A_142, %div3A_146 : vector<1x4096xf32>
    %tanh3A_148 = math.tanh %get3A_7 : vector<1x4096xf32>
    %sub3A_149 = arith.subf %div3A, %div3A : vector<1x4096xf32>
    %mul3A_150 = arith.mulf %tanh3A_148, %sub3A_149 : vector<1x4096xf32>
    %div3A_151 = arith.constant 2.000000e+00 : f32
    %div3A_152 = vector.broadcast %div3A_151 : f32 to vector<1x4096xf32>
    %div3A_153 = arith.divf %mul3A_150, %div3A_152 : vector<1x4096xf32>
    %add3A_154 = arith.addf %div3A, %div3A : vector<1x4096xf32>
    %div3A_155 = arith.constant 2.000000e+00 : f32
    %div3A_156 = vector.broadcast %div3A_155 : f32 to vector<1x4096xf32>
    %div3A_157 = arith.divf %add3A_154, %div3A_156 : vector<1x4096xf32>
    %add3A_158 = arith.addf %div3A_153, %div3A_157 : vector<1x4096xf32>
    %add3A_159 = arith.constant 5.000000e-01 : f32
    %add3A_160 = vector.broadcast %add3A_159 : f32 to vector<1x4096xf32>
    %add3A_161 = arith.addf %select_n3A_44, %add3A_160 : vector<1x4096xf32>
    %add3A_162 = arith.constant 9.99999997E-7 : f32
    %add3A_163 = vector.broadcast %add3A_162 : f32 to vector<1x4096xf32>
    %add3A_164 = arith.addf %get3A_1, %add3A_163 : vector<1x4096xf32>
    %div3A_165 = arith.divf %add3A_161, %add3A_164 : vector<1x4096xf32>
    %tanh3A_166 = math.tanh %get3A_7 : vector<1x4096xf32>
    %sub3A_167 = arith.subf %select_n3A_67, %div3A_165 : vector<1x4096xf32>
    %mul3A_168 = arith.mulf %tanh3A_166, %sub3A_167 : vector<1x4096xf32>
    %div3A_169 = arith.constant 2.000000e+00 : f32
    %div3A_170 = vector.broadcast %div3A_169 : f32 to vector<1x4096xf32>
    %div3A_171 = arith.divf %mul3A_168, %div3A_170 : vector<1x4096xf32>
    %add3A_172 = arith.addf %select_n3A_67, %div3A_165 : vector<1x4096xf32>
    %div3A_173 = arith.constant 2.000000e+00 : f32
    %div3A_174 = vector.broadcast %div3A_173 : f32 to vector<1x4096xf32>
    %div3A_175 = arith.divf %add3A_172, %div3A_174 : vector<1x4096xf32>
    %add3A_176 = arith.addf %div3A_171, %div3A_175 : vector<1x4096xf32>
    %select_n3A_177 = arith.select %le3A_95, %add3A_158, %add3A_176 : vector<1x4096xi1>, vector<1x4096xf32>
    %select_n3A_178 = arith.select %ge3A_93, %add3A_147, %select_n3A_177 : vector<1x4096xi1>, vector<1x4096xf32>
    %mul3A_179 = arith.mulf %select_n3A_178, %get3A_1 : vector<1x4096xf32>
    %sub3A_180 = arith.subf %select_n3A_44, %mul3A_179 : vector<1x4096xf32>
    %mul3A_181 = arith.mulf %select_n3A_178, %get3A_4 : vector<1x4096xf32>
    %sub3A_182 = arith.subf %select_n3A, %mul3A_181 : vector<1x4096xf32>
    %min3A = arith.minimumf %sub3A_180, %sub3A_182 : vector<1x4096xf32>
    %mul3A_183 = arith.mulf %select_n3A_136, %get3A_1 : vector<1x4096xf32>
    %sub3A_184 = arith.subf %select_n3A_44, %mul3A_183 : vector<1x4096xf32>
    %mul3A_185 = arith.mulf %select_n3A_136, %get3A_4 : vector<1x4096xf32>
    %sub3A_186 = arith.subf %select_n3A, %mul3A_185 : vector<1x4096xf32>
    %div3A_187 = arith.constant 2.000000e+00 : f32
    %div3A_188 = vector.broadcast %div3A_187 : f32 to vector<1x4096xf32>
    %div3A_189 = arith.divf %select_n3A_136, %div3A_188 : vector<1x4096xf32>
    %max3A_190 = arith.constant 0.000000e+00 : f32
    %max3A_191 = vector.broadcast %max3A_190 : f32 to vector<1x4096xf32>
    %max3A_192 = arith.maximumf %get3A_1, %max3A_191 : vector<1x4096xf32>
    %ge3A_193 = arith.cmpf oge, %div3A_189, %max3A_192 : vector<1x4096xf32>
    %le3A_194 = arith.cmpf ole, %div3A_189, %get3A_4 : vector<1x4096xf32>
    %and3A = arith.andi %ge3A_193, %le3A_194 : vector<1x4096xi1>
    %neg3A_195 = arith.constant 0.000000e+00 : f32
    %neg3A_196 = vector.broadcast %neg3A_195 : f32 to vector<1x4096xf32>
    %neg3A_197 = arith.subf %neg3A_196, %select_n3A_136 : vector<1x4096xf32>
    %mul3A_198 = arith.mulf %neg3A_197, %select_n3A_136 : vector<1x4096xf32>
    %div3A_199 = arith.constant 4.000000e+00 : f32
    %div3A_200 = vector.broadcast %div3A_199 : f32 to vector<1x4096xf32>
    %div3A_201 = arith.divf %mul3A_198, %div3A_200 : vector<1x4096xf32>
    %sub3A_202 = arith.constant 5.000000e-01 : f32
    %sub3A_203 = vector.broadcast %sub3A_202 : f32 to vector<1x4096xf32>
    %sub3A_204 = arith.subf %div3A_201, %sub3A_203 : vector<1x4096xf32>
    %jit3A = arith.constant -1.000000e+30 : f32
    %broadcast_in_dim3A_205 = vector.broadcast %jit3A : f32 to vector<1x4096xf32>
    %select_n3A_206 = arith.select %and3A, %sub3A_204, %broadcast_in_dim3A_205 : vector<1x4096xi1>, vector<1x4096xf32>
    %max3A_207 = arith.maximumf %sub3A_184, %sub3A_186 : vector<1x4096xf32>
    %max3A_208 = arith.maximumf %max3A_207, %select_n3A_206 : vector<1x4096xf32>
    %swap3A = arith.constant 0 : index
    %swap3A_209 = arith.constant 0 : index
    %swap3A_210 = vector.load %arg4[%swap3A, %swap3A_209] : memref<4x4224xf32, #tpu.memory_space<vmem>>, vector<1x4096xf32>
    tpu.vector_store %arg4[%swap3A, %swap3A_209], %select_n3A_178 {strides = array<i32>} : memref<4x4224xf32, #tpu.memory_space<vmem>>, vector<1x4096xf32>,
    %swap3A_211 = arith.constant 1 : index
    %swap3A_212 = arith.constant 0 : index
    %swap3A_213 = vector.load %arg4[%swap3A_211, %swap3A_212] : memref<4x4224xf32, #tpu.memory_space<vmem>>, vector<1x4096xf32>
    tpu.vector_store %arg4[%swap3A_211, %swap3A_212], %select_n3A_136 {strides = array<i32>} : memref<4x4224xf32, #tpu.memory_space<vmem>>, vector<1x4096xf32>,
    %swap3A_214 = arith.constant 2 : index
    %swap3A_215 = arith.constant 0 : index
    %swap3A_216 = vector.load %arg4[%swap3A_214, %swap3A_215] : memref<4x4224xf32, #tpu.memory_space<vmem>>, vector<1x4096xf32>
    tpu.vector_store %arg4[%swap3A_214, %swap3A_215], %min3A {strides = array<i32>} : memref<4x4224xf32, #tpu.memory_space<vmem>>, vector<1x4096xf32>,
    %swap3A_217 = arith.constant 3 : index
    %swap3A_218 = arith.constant 0 : index
    %swap3A_219 = vector.load %arg4[%swap3A_217, %swap3A_218] : memref<4x4224xf32, #tpu.memory_space<vmem>>, vector<1x4096xf32>
    tpu.vector_store %arg4[%swap3A_217, %swap3A_218], %max3A_208 {strides = array<i32>} : memref<4x4224xf32, #tpu.memory_space<vmem>>, vector<1x4096xf32>,
    %broadcast_in_dim3A_220 = arith.constant 0.000000e+00 : f32
    %broadcast_in_dim3A_221 = vector.broadcast %broadcast_in_dim3A_220 : f32 to vector<4x128xf32>
    %swap3A_222 = arith.constant 0 : index
    %swap3A_223 = arith.constant 4096 : index
    %swap3A_224 = vector.load %arg4[%swap3A_222, %swap3A_223] : memref<4x4224xf32, #tpu.memory_space<vmem>>, vector<4x128xf32>
    tpu.vector_store %arg4[%swap3A_222, %swap3A_223], %broadcast_in_dim3A_221 {strides = array<i32>} : memref<4x4224xf32, #tpu.memory_space<vmem>>, vector<4x128xf32>,
    return
  }
}

</mosaic_0001>

<sc_bundles>
// kernel: kernel.4.cloned.1.call-start
scs
__scs_entry_jumppad:
0x0: {  	(pc) =	sbr.rel $0x88, $3  }
0x1: {  	(tag) =	ssettag $0x0;
	lr =	simm.s32 $0x1  }
0x2: {  	[smem:$0x3F9D] =	sst lr;
	_ =	strace $0xD0000000  }
0x3: {  	_ = 	snop  }
0x4: {  	_ = 	snop  }
0x5: {  	_ = 	snop  }
0x6: {  	_ = 	snop  }
0x7: {  	_ = 	snop  }
__scs_overlays_trampoline_lowered:
0x8: {  	[smem:$0x3FAC] =	sst s0  }
0x9: {  	[smem:$0x3FAD] =	sst s1  }
0xa: {  	[smem:$0x3FAE] =	sst s2  }
0xb: {  	[smem:$0x3FAF] =	sst s3  }
0xc: {  	[smem:$0x3FB0] =	sst s4  }
0xd: {  	[smem:$0x3FB1] =	sst s5  }
0xe: {  	[smem:$0x3FB2] =	sst s6  }
0xf: {  	[smem:$0x3FB3] =	sst s7  }
0x10: {  	[smem:$0x3FB4] =	sst s8  }
0x11: {  	[smem:$0x3FB5] =	sst s9;
	s0 =	simm.s32 @!p0 $0x0  }
0x12: {  	s1 =	sld [smem:$0x3F9B];
	s0 =	simm.s32 @p0 $0x1  }
0x13: {  	[smem:$0x3FB6] =	sst s0;
	s0 =	simm.s32 @!p1 $0x0  }
0x14: {  	s2 =	sld [smem:$0x3F9A];
	s0 =	simm.s32 @p1 $0x1  }
0x15: {  	[smem:$0x3FB7] =	sst s0;
	s0 =	simm.s32 @!p2 $0x0  }
0x16: {  	s3 =	sld [smem:$0x3FDB];
	s0 =	simm.s32 @p2 $0x1  }
0x17: {  	s4 =	simm.s32 $0x1BF5;
	[smem:$0x3FB9] =	sst s0  }
0x18: {  	s0 =	sld [smem:$0x3F9C];
	_ =	swait.ge [sflag:s4], $0x0  }
0x19: {  	s7 =	sld [smem:$0x3F9D]  }
0x1a: {  	s8 =	sadd.s32 $0xFFFFE003, lr  }
0x1b: {  	s9 =	sadd.s32 $0xFFFFFEF7, lr;
	s5 =	simm.s32 $0xFFFFFFFF;
	p2 =	slt.u32 s8, $0xFFFFF086  }
0x1c: {  	p1 =	slt.u32 s9, $0xF7A;
	s5 =	simm.s32 @!p2 $0x0  }
0x1d: {  	s5 =	simm.s32 @p1 $0x1;
	p0 =	seq.s32 s7, s2  }
0x1e: {  	s7 =	smul.u32 @!p0 $0xF7A, s2;
	p2 =	seq.s32 @!p0 s5, $0x0  }
0x1f: {  	s9 =	smul.u32 $0xF7A, s1;
	s8 =	simm.s32 @!p0 $0x1BF5;
	p2 =	por !p2, p0  }
0x20: {  	[sflag:s8] =	ssyncset.s32 @!p0 $0xFFFFF086;
	s6 =	sadd.s32 @!p0 s3, s7;
	s7 =	simm.s32 @!p0 $0x108  }
0x21: {  	s3 =	sadd.s32 s3, s9;
	s6 =	sadd.s32 @!p0 $0x88, s6;
	s7 =	simm.s32 @p2 $0x1082  }
0x22: {  	[simem:s7], [sflag:s8] =	dma.local @!p0 [hbm:s6], $0xF7A  }
0x23: {  	s9 =	sor.u32 $0xD0000000, s2;
	s6 =	simm.s32 $0x108;
	_ =	swait.ge @!p0 [sflag:s8], $0x0  }
0x24: {  	s3 =	sadd.s32 $0x88, s3;
	s6 =	simm.s32 @!p1 $0x1082;
	[sflag:s4] =	ssyncset.s32 $0xFFFFF086  }
0x25: {  	[simem:s6], [sflag:s4] =	dma.local [hbm:s3], $0xF7A  }
0x26: {  	[smem:$0x3F9D] =	sst s1;
	(tag) =	ssettag s2;
	_ =	strace s9  }
0x27: {  	s1 =	sld [smem:$0x3FAD]  }
0x28: {  	s2 =	sld [smem:$0x3FAE]  }
0x29: {  	s4 =	sld [smem:$0x3FB0]  }
0x2a: {  	p0 =	seq.s32 s5, $0x0;
	s5 =	sld [smem:$0x3FB1]  }
0x2b: {  	s6 =	sld [smem:$0x3FB2]  }
0x2c: {  	s7 =	sld [smem:$0x3FB3]  }
0x2d: {  	s3 =	simm.s32 $0x108;
	s8 =	sld [smem:$0x3FB4]  }
0x2e: {  	s3 =	simm.s32 @!p0 $0x1082;
	s9 =	sld [smem:$0x3FB5]  }
0x2f: {  	lr =	sadd.s32 s0, s3;
	s0 =	sld [smem:$0x3FAC]  }
0x30: {  	s3 =	sld [smem:$0x3FAF]  }
0x31: {  	[smem:$0x3FB8] =	sst s10  }
0x32: {  	s10 =	sld [smem:$0x3FB6];
	_ =	sdelay $0x3  }
0x33: {  	p0 =	seq.s32 s10, $0x1;
	s10 =	sld [smem:$0x3FB8];
	_ =	sdelay $0x3  }
0x34: {  	[smem:$0x3FB8] =	sst s10  }
0x35: {  	s10 =	sld [smem:$0x3FB7];
	_ =	sdelay $0x3  }
0x36: {  	p1 =	seq.s32 s10, $0x1;
	s10 =	sld [smem:$0x3FB8];
	_ =	sdelay $0x3  }
0x37: {  	[smem:$0x3FB8] =	sst s10  }
0x38: {  	s10 =	sld [smem:$0x3FB9]  }
0x39: {  	_ = 	snop;
	(pc) =	sbr.ind lr, $3  }
0x3a: {  	_ = 	snop  }
0x3b: {  	_ = 	snop  }
0x3c: {  	p2 =	seq.s32 s10, $0x1;
	s10 =	sld [smem:$0x3FB8]  }
0x3d: {  	_ =	shalt  }
0x3e: {  	_ =	shalt  }
0x3f: {  	_ =	shalt  }
0x40: {  	_ =	shalt  }
0x41: {  	_ =	shalt  }
0x42: {  	_ =	shalt  }
0x43: {  	_ =	shalt  }
0x44: {  	_ =	shalt  }
0x45: {  	_ =	shalt  }
0x46: {  	_ =	shalt  }
0x47: {  	_ =	shalt  }
0x48: {  	_ =	shalt  }
0x49: {  	_ =	shalt  }
0x4a: {  	_ =	shalt  }
0x4b: {  	_ =	shalt  }
0x4c: {  	_ =	shalt  }
0x4d: {  	_ =	shalt  }
0x4e: {  	_ =	shalt  }
0x4f: {  	_ =	shalt  }
0x50: {  	_ =	shalt  }
0x51: {  	_ =	shalt  }
0x52: {  	_ =	shalt  }
0x53: {  	_ =	shalt  }
0x54: {  	_ =	shalt  }
0x55: {  	_ =	shalt  }
0x56: {  	_ =	shalt  }
0x57: {  	_ =	shalt  }
0x58: {  	_ =	shalt  }
0x59: {  	_ =	shalt  }
0x5a: {  	_ =	shalt  }
0x5b: {  	_ =	shalt  }
0x5c: {  	_ =	shalt  }
0x5d: {  	_ =	shalt  }
0x5e: {  	_ =	shalt  }
0x5f: {  	_ =	shalt  }
0x60: {  	_ =	shalt  }
0x61: {  	_ =	shalt  }
0x62: {  	_ =	shalt  }
0x63: {  	_ =	shalt  }
0x64: {  	_ =	shalt  }
0x65: {  	_ =	shalt  }
0x66: {  	_ =	shalt  }
0x67: {  	_ =	shalt  }
0x68: {  	_ =	shalt  }
0x69: {  	_ =	shalt  }
0x6a: {  	_ =	shalt  }
0x6b: {  	_ =	shalt  }
0x6c: {  	_ =	shalt  }
0x6d: {  	_ =	shalt  }
0x6e: {  	_ =	shalt  }
0x6f: {  	_ =	shalt  }
0x70: {  	_ =	shalt  }
0x71: {  	_ =	shalt  }
0x72: {  	_ =	shalt  }
0x73: {  	_ =	shalt  }
0x74: {  	_ =	shalt  }
0x75: {  	_ =	shalt  }
0x76: {  	_ =	shalt  }
0x77: {  	_ =	shalt  }
0x78: {  	_ =	shalt  }
0x79: {  	_ =	shalt  }
0x7a: {  	_ =	shalt  }
0x7b: {  	_ =	shalt  }
0x7c: {  	_ =	shalt  }
0x7d: {  	_ =	shalt  }
0x7e: {  	_ =	shalt  }
0x7f: {  	_ =	shalt  }
0x80: {  	_ =	shalt  }
0x81: {  	_ =	shalt  }
0x82: {  	_ =	shalt  }
0x83: {  	_ =	shalt  }
0x84: {  	_ =	shalt  }
0x85: {  	_ =	shalt  }
0x86: {  	_ =	shalt  }
0x87: {  	_ =	shalt  }
.Lfunc_end0:
.L_simem_size_0:
called_computation_lowered:
.L_overlay_start_0:
0x88: {  	s2 =	sld [smem:$0x3FD9]  }
0x89: {  	s3 =	sld [smem:$0x3FFE];
	_ =	sdelay $0x1  }
0x8a: {  	s1 =	srdreg.scid  }
0x8b: {  	s0 =	sand.u32 $0x1, s1  }
0x8c: {  	s17 =	sshll.u32 s0, $0xA;
	s2 =	sadd.s32 s3, s2  }
0x8d: {  	s2 =	sadd.s32 s2, s17  }
0x8e: {  	[smem:$0x3FC4] =	sst s2  }
0x8f: {  	_ = 	snop  }
0x90: {  	s2 =	sld [smem:$0x3FD0];
	(tm) =	ssettm $0x1  }
0x91: {  	s18 =	sld [smem:$0x3FFB];
	_ =	sdelay $0x3  }
0x92: {  	_ =	strace s18  }
0x93: {  	s3 =	sld [smem:$0x3FFC];
	_ =	sdelay $0x3  }
0x94: {  	_ =	strace s3  }
0x95: {  	s3 =	sld [smem:$0x3FFD];
	_ =	sdelay $0x3  }
0x96: {  	_ =	strace s3  }
0x97: {  	_ =	strace $0x8FFFFFFF  }
0x98: {  	s19 =	sld [smem:$0x3FDB];
	_ =	sdelay $0x1  }
0x99: {  	s4 =	simm.s32 $_scs_section_size  }
0x9a: {  	s5 =	simm.s32 $_size__tile_overlayer_lowered;
	s6 =	simm.s32 $_tile_overlayer_lowered  }
0x9b: {  	s22 =	simm.s32 $0x1BFF;
	s21 =	sshll.u32 s6, $0x1;
	s3 =	sadd.s32 s4, s19  }
0x9c: {  	s7 =	simm.s32 $0x0;
	s20 =	sshll.u32 s5, $0x1;
	s5 =	sadd.s32 s21, s3  }
0x9d: {  	[timem:s7], [sflag:s22] =	dma.local [hbm:s5], s20  }
0x9e: {  	_ =	swait.ge [sflag:s22], s20  }
0x9f: {  	s4 =	ssub.s32 $0x0, s20;
	[sflag:s22] =	ssyncset.done $0x0  }
0xa0: {  	[sflag:s22] =	ssyncadd.s32 s4;
	_ =	sdelay $0x1  }
0xa1: {  	s23 =	simm.s32 $0x1B8B  }
0xa2: {  	_ =	swait.ge [sflag:s23], $0x1  }
0xa3: {  	[sflag:s23] =	ssyncset.done $0x0  }
0xa4: {  	s25 =	simm.s32 $0x1B8E;
	s24 =	sld [smem:$0x3FFE];
	[sflag:s23] =	ssyncadd.s32 $0xFFFFFFFF  }
0xa5: {  	s26 =	simm.s32 $execute0_lowered;
	[smem:$0x3FD2] =	sst s25  }
0xa6: {  	s5 =	sshll.u32 s26, $0x1;
	_ =	strace $0x80000046;
	[dreg:$0x1] =	wrdreg $0xFFFFFFFF  }
0xa7: {  	s28 =	simm.s32 $_size_execute0_lowered;
	s3 =	sadd.s32 s3, s5;
	[dreg:$0x0] =	wrdreg $0x0  }
0xa8: {  	s5 =	sshll.u32 s28, $0x1;
	[dreg:$0x2] =	wrdreg s3  }
0xa9: {  	[dreg:$0x3] =	wrdreg s5  }
0xaa: {  	[dreg:$0x4] =	wrdreg $0xC0  }
0xab: {  	_ =	task [dreg:s7], $0x5FFFF  }
0xac: {  	[dreg:$0x1] =	wrdreg $0xFFFFFFFF  }
0xad: {  	[dreg:$0x0] =	wrdreg $0x60  }
0xae: {  	[dreg:$0x2] =	wrdreg s24  }
0xaf: {  	[dreg:$0x3] =	wrdreg s2  }
0xb0: {  	[dreg:$0x4] =	wrdreg $0x9  }
0xb1: {  	_ =	task.clear_ibuf [dreg:s7], $0x5FFFF;
	_ =	strace $0x90000046  }
0xb2: {  	s29 =	simm.s32 $0x9;
	_ =	strace $0x80000048  }
0xb3: {  	_ =	swait.ge [sflag:s29], $0x1  }
0xb4: {  	[sflag:s29] =	ssyncadd.s32 $0xFFFFFFFF  }
0xb5: {  	_ =	strace $0x90000048  }
0xb6: {  	_ =	sfence  }
0xb7: {  	s30 =	sld [smem:$0x0];
	_ =	sdelay $0x2  }
0xb8: {  	s31 =	sshll.u32 s1, $0xD;
	s1 =	sshrl.u32 s1, $0x2  }
0xb9: {  	s3 =	sand.u32 $0x4000, s31;
	s1 =	sadd.s32 s1, s30  }
0xba: {  	s0 =	sor.u32 s3, s0;
	s1 =	sshll.u32 s1, $0x11  }
0xbb: {  	s0 =	sor.u32 s1, s0  }
0xbc: {  	s0 =	sadd.s32 $0x8F2B, s0  }
0xbd: {  	[sflag:s0] =	ssyncadd.remote.s32 $0x1  }
0xbe: {  	_ =	sfence.sel $0xFFFF  }
0xbf: {  	[dreg:$0x0] =	wrdreg $0xFFFFFFFF;
	(pc) =	sbr.abs _section_cstart, $3  }
0xc0: {  	[dreg:$0x1] =	wrdreg $0xFFFFFFFF  }
0xc1: {  	_ =	task.clear_ibuf [dreg:s7], $0x2FFFF;
	_ =	strace $0x9FFFFFFF  }
0xc2: {  	(tm) =	ssettm $0x7FFFFFFF  }
0xc3: {  	_ =	shalt  }
tec
execute0_lowered:
.L_overlay_start_1:
0x0: {  	(tag) =	ssettag $0x1  }
0x1: {  	s3 =	rddreg [dreg:$0x0]  }
0x2: {  	s8 =	rddreg [dreg:$0x1]  }
0x3: {  	s0 =	rddreg [dreg:$0x2]  }
0x4: {  	s4 =	srdreg.scid;
	s1 =	stileid.u32  }
0x5: {  	s2 =	simm.s32 $0x0;
	s6 =	sand.u32 $0x1, s4;
	s30 =	sshll.u32 s1, $0x1  }
0x6: {  	v0 =	vlaneseq.u32;
	[smem:$0x7FF] =	sst s2;
	s9 =	smul.u32 $0x42000, s1;
	s10 =	sshll.u32 s1, $0x8  }
0x7: {  	v0 =	vand.u32 $0x7, v0;
	s12 =	sor.u32 s6, s30;
	s31 =	ssub.s32 $0x2, s6;
	_ =	strace $0x80000047  }
0x8: {  	s11 =	sshll.u32 s6, $0x7;
	s13 =	smul.u32 $0x21000, s6;
	v1 =	vmul.u32 $0x2100, v0;
	s5 =	sshll.u32 s12, $0x6  }
0x9: {  	s7 =	sshrl.u32 s31, $0x1;
	p0 =	sne.s32 s12, $0x1F;
	s12 =	simm.s32 $0x0  }
0xa: {  	s5 =	sadd.s32 s5, s3;
	s3 =	sadd.s32 $0x1800, s3;
	s7 =	ssub.s32 s31, s7;
	v4 =	vadd.s32 $0x2080, v1  }
0xb: {  	s4 =	sadd.s32 $0xE00, s5;
	s5 =	sadd.s32 $0x420000, s8;
	s6 =	smax.u32 s7, $0x1  }
0xc: {  	s7 =	sor.u32 s11, s10;
	s8 =	sadd.s32 s9, s8;
	s9 =	simm.s32 $0x2  }
0xd: {  	v5 =	vimm.f32 $0.0e+00;
	v2 =	vor.u32 $0x80, v1;
	v3 =	vadd.s32 $0x2000, v1;
	s10 =	simm.s32 $0x400;
	s11 =	simm.s32 $0x1;
	s8 =	sadd.s32 s13, s8  }
.LBB2_1:
0xe: {  	[tilespmem:s2], [sflag:$0x2] =	stream.linear.gather [hbm4b:s4+s2], $0x400, $0x38;
	[tilespmem:$0x10C00] =	vst v63  }
0xf: {  	_ =	swait.ge [sflag:s9], $0x400  }
0x10: {  	[sflag:s9] =	ssyncset.done $0x0  }
0x11: {  	s13 =	sadd.s32 $0x0, s7;
	[sflag:s9] =	ssyncadd.s32 $0xFFFFFC00  }
0x12: {  	v6 =	vmov s13;
	[tilespmem:s10], [sflag:$0x2] =	stream.linear.gather [hbm4b:s3+s2], $0x10800, $0x38;
	[tilespmem:$0x10C00] =	vst v63  }
0x13: {  	v7 =	vor.u32 s13, v0;
	v6 =	vshll.u32 v6, $0x1;
	_ =	swait.ge [sflag:s9], $0x10800  }
0x14: {  	v7 =	vand.u32 $0x7F, v7;
	v6 =	vand.u32 $0x7FFFFF00, v6;
	[sflag:s9] =	ssyncset.done $0x0  }
0x15: {  	s13 =	simm.s32 $0x100;
	v6 =	vor.u32 v7, v6;
	[sflag:s9] =	ssyncadd.s32 $0xFFFEF800  }
0x16: {  	v8 =	vadd.s32 v1, v6;
	v7 =	vld [tilespmem:s13+$0xFFFFFF00]  }
0x17: {  	v6 =	vadd.s32 v2, v6;
	v9 =	vld [tilespmem:s13+$0xFFFFFF80]  }
0x18: {  	v10 =	vld [tilespmem:s13+$0x0]  }
0x19: {  	v11 =	vld [tilespmem:s13+$0x80];
	_ =	sdelay $0x1  }
0x1a: {  	[tilespmem:v8+s10+$0x0] =	vst.idx.msk $0xff, v7  }
0x1b: {  	[tilespmem:v6+s10+$0x0] =	vst.idx.msk $0xff, v9  }
0x1c: {  	[tilespmem:v3+s10+$0x0] =	vst.idx.msk $0xff, v10  }
0x1d: {  	[tilespmem:v4+s10+$0x0] =	vst.idx.msk $0xff, v11  }
0x1e: {  	[hbm4b:s8+s2] =	stream.linear.scatter [tilespmem:s10], [sflag:$0x1], $0x10800, $0x38;
	[tilespmem:$0x10C00] =	vst v63  }
0x1f: {  	_ =	swait.ge [sflag:s11], $0x10800  }
0x20: {  	[sflag:s11] =	ssyncset.done $0x0  }
0x21: {  	s14 =	sadd.s32 $0x8, s7;
	[sflag:s11] =	ssyncadd.s32 $0xFFFEF800  }
0x22: {  	v7 =	vmov s14;
	[tilespmem:v8+s10+$0x0] =	vst.idx.msk $0xff, v5  }
0x23: {  	v7 =	vshll.u32 v7, $0x1;
	v8 =	vor.u32 s14, v0;
	[tilespmem:v6+s10+$0x0] =	vst.idx.msk $0xff, v5  }
0x24: {  	s15 =	simm.s32 $0x10;
	v7 =	vand.u32 $0x7FFFFF00, v7;
	s14 =	smov.u32 s8;
	v6 =	vand.u32 $0x7F, v8;
	[tilespmem:v3+s10+$0x0] =	vst.idx.msk $0xff, v5  }
.LBB2_2:
0x25: {  	s14 =	sadd.s32 $0x2100, s14  }
0x26: {  	v6 =	vor.u32 v6, v7;
	[tilespmem:v4+s10+$0x0] =	vst.idx.msk $0xff, v5;
	s13 =	sadd.s32 $0x8, s13;
	s16 =	smov.u32 s15;
	s17 =	sadd.s32 $0x8, s15  }
0x27: {  	p1 =	sne.s32 s15, $0x78;
	v7 =	vld [tilespmem:s13+$0xFFFFFF00];
	v8 =	vadd.s32 v1, v6  }
0x28: {  	v6 =	vadd.s32 v2, v6;
	v9 =	vld [tilespmem:s13+$0xFFFFFF80]  }
0x29: {  	v10 =	vld [tilespmem:s13+$0x0]  }
0x2a: {  	v11 =	vld [tilespmem:s13+$0x80];
	_ =	sdelay $0x1  }
0x2b: {  	[tilespmem:v8+s10+$0x0] =	vst.idx.msk $0xff, v7  }
0x2c: {  	[tilespmem:v6+s10+$0x0] =	vst.idx.msk $0xff, v9  }
0x2d: {  	[tilespmem:v3+s10+$0x0] =	vst.idx.msk $0xff, v10  }
0x2e: {  	[tilespmem:v4+s10+$0x0] =	vst.idx.msk $0xff, v11  }
0x2f: {  	[hbm4b:s14+s2] =	stream.linear.scatter [tilespmem:s10], [sflag:$0x1], $0x10800, $0x38;
	[tilespmem:$0x10C00] =	vst v63  }
0x30: {  	_ =	swait.ge [sflag:s11], $0x10800  }
.Ltmp0:
0x31: {  	[sflag:s11] =	ssyncset.done $0x0;
	(pc) =	sbr.rel @p1 .LBB2_2-.Ltmp0, $4  }
0x32: {  	s15 =	sadd.s32 s16, s7;
	[sflag:s11] =	ssyncadd.s32 $0xFFFEF800  }
0x33: {  	v7 =	vmov s15;
	v9 =	vor.u32 s15, v0;
	[tilespmem:v8+s10+$0x0] =	vst.idx.msk $0xff, v5  }
0x34: {  	v7 =	vshll.u32 v7, $0x1;
	[tilespmem:v6+s10+$0x0] =	vst.idx.msk $0xff, v5  }
0x35: {  	s15 =	smov.u32 s17;
	v7 =	vand.u32 $0x7FFFFF00, v7;
	v6 =	vand.u32 $0x7F, v9;
	[tilespmem:v3+s10+$0x0] =	vst.idx.msk $0xff, v5  }
0x36: {  	_ =	sdelay $0x3  }
0x37: {  	v6 =	vor.u32 v6, v7;
	[tilespmem:v4+s10+$0x0] =	vst.idx.msk $0xff, v5;
	s13 =	sadd.s32 $0x8, s13  }
0x38: {  	v7 =	vld [tilespmem:s13+$0xFFFFFF00];
	v8 =	vadd.s32 v1, v6  }
0x39: {  	v9 =	vld [tilespmem:s13+$0xFFFFFF80];
	v6 =	vadd.s32 v2, v6  }
0x3a: {  	v10 =	vld [tilespmem:s13+$0x0]  }
0x3b: {  	v11 =	vld [tilespmem:s13+$0x80];
	_ =	sdelay $0x1  }
0x3c: {  	[tilespmem:v8+s10+$0x0] =	vst.idx.msk $0xff, v7  }
0x3d: {  	[tilespmem:v6+s10+$0x0] =	vst.idx.msk $0xff, v9  }
0x3e: {  	[tilespmem:v3+s10+$0x0] =	vst.idx.msk $0xff, v10  }
0x3f: {  	s31 =	sadd.s32 $0x2100, s14;
	v7 =	vlaneseq.u32 @!p0;
	[tilespmem:v4+s10+$0x0] =	vst.idx.msk $0xff, v11  }
0x40: {  	v7 =	vshrl.u32 @!p0 v7, $0x3;
	[hbm4b:s31+s2] =	stream.linear.scatter [tilespmem:s10], [sflag:$0x1], $0x10800, $0x38;
	[tilespmem:$0x10C00] =	vst v63  }
0x41: {  	v7 =	vmul.u32 @!p0 $0x80, v7;
	_ =	swait.ge [sflag:s11], $0x10800  }
0x42: {  	[sflag:s11] =	ssyncset.done $0x0  }
0x43: {  	v7 =	vor.u32 @!p0 $0x2000, v7;
	[sflag:s11] =	ssyncadd.s32 $0xFFFEF800  }
0x44: {  	[tilespmem:v8+s10+$0x0] =	vst.idx.msk $0xff, v5  }
0x45: {  	[tilespmem:v6+s10+$0x0] =	vst.idx.msk $0xff, v5  }
0x46: {  	[tilespmem:v3+s10+$0x0] =	vst.idx.msk $0xff, v5  }
0x47: {  	s12 =	sadd.s32 $0x1, s12;
	s13 =	simm.s32 @!p0 $0x400;
	v6 =	vimm.f32 @!p0 $1.000000000e+00;
	[tilespmem:v4+s10+$0x0] =	vst.idx.msk $0xff, v5  }
0x48: {  	s14 =	simm.s32 @!p0 $0x0;
	p1 =	sne.s32 s12, s6;
	[tilespmem:v7+s13+$0x0] =	vst.idx.msk @!p0 $0xffff, v6  }
0x49: {  	[hbm4b:s5+s14] =	stream.linear.scatter @!p0 [tilespmem:s13], [sflag:$0x1], $0x2100, $0x38;
	[tilespmem:$0x10C00] =	vst v63  }
.Ltmp1:
0x4a: {  	_ = 	snop;
	(pc) =	sbr.rel @p1 .LBB2_1-.Ltmp1, $4  }
0x4b: {  	s13 =	simm.s32 @!p0 $0x1  }
0x4c: {  	_ =	swait.ge @!p0 [sflag:s13], $0x2100  }
0x4d: {  	[sflag:s13] =	ssyncset.done @!p0 $0x0  }
0x4e: {  	[sflag:s13] =	ssyncadd.s32 @!p0 $0xFFFFDF00  }
0x4f: {  	_ =	sfence.sel $0x180000  }
0x50: {  	[bflag:$0x0] =	sbarrier.arrive $0xFFFF  }
0x51: {  	p0 =	sne.s32 s1, $0x0;
	_ =	strace $0x90000047  }
0x52: {  	s0 =	sadd.s32 @!p0 $0x100000, s0;
	[bflag:$0x2] =	sbarrier.arrive $0xFFFF  }
0x53: {  	[sflag:s0] =	ssyncadd.tile.s32 @!p0 $0x1;
	_ =	shalt  }
.Lfunc_end2:
_tile_overlayer_lowered:
.L_overlay_start_2:
0x54: {  	(tag) =	ssettag $0x2  }
0x55: {  	s0 =	rddreg [dreg:$0x0];
	s2 =	stileid.u32  }
0x56: {  	s1 =	rddreg [dreg:$0x1];
	p0 =	sne.s32 s2, $0x0  }
0x57: {  	s3 =	rddreg [dreg:$0x2];
	[bflag:$0x3] =	sbarrier.arrive $0xFFFF;
	s2 =	simm.s32 @!p0 $0x1C02  }
0x58: {  	[timem:s3], [sflag:s2] =	dma.local @!p0 [hbm:s0], s1  }
0x59: {  	s0 =	simm.s32 @!p0 $0x2  }
0x5a: {  	_ =	swait.ge @!p0 [sflag:s0], s1  }
0x5b: {  	s1 =	ssub.s32 @!p0 $0x0, s1;
	[sflag:s0] =	ssyncset.done @!p0 $0x0  }
0x5c: {  	[sflag:s0] =	ssyncadd.s32 @!p0 s1  }
0x5d: {  	[bflag:$0x3] =	sbarrier.arrive $0xFFFF  }
0x5e: {  	_ =	shalt  }

</sc_bundles>
